<compile_context>
chip_gen: v7x
topology: tpu7x:2x2x1
jax: 0.10.2.dev20260603
libtpu: 0.0.44.dev20260713+nightly
codegen_flags: <defaults>
</compile_context>

<pallas_src>
import jax
import jax.numpy as jnp
from jax import lax
from jax.experimental import pallas as pl
from jax.experimental.pallas import tpu as pltpu
from jax.experimental.pallas import tpu_sc as plsc

N = 10000
D = 128
E = 320000
UNITS = 128
MAX_NORM = 0.9

NUM_CORES = 2
NUM_SUBCORES = 16
NW = NUM_CORES * NUM_SUBCORES
CHUNK = 128
NUM_CHUNKS = 79
EDGES_PER_TILE = NUM_CHUNKS * CHUNK
E_PAD = EDGES_PER_TILE * NW
ROWS_PER_SC = 10112
ZROWS = ROWS_PER_SC // NUM_SUBCORES

ROW_BLOCK = 1000


def _premap_body(x_ref, o_ref):
    v = x_ref[...]
    n0 = jnp.sqrt(jnp.sum(v * v, axis=1, keepdims=True))
    s0 = jnp.where(n0 > 0, jnp.minimum(1.0, MAX_NORM / (n0 + 1e-08)), 1.0)
    xc = v * s0
    nv = jnp.sqrt(jnp.sum(xc * xc, axis=1, keepdims=True))
    nv = jnp.clip(nv, 0.0, 10.0)
    y = jnp.tanh(nv) * xc / (nv + 1e-08)
    ny = jnp.sqrt(jnp.sum(y * y, axis=1, keepdims=True))
    s1 = jnp.where(ny > 0, jnp.minimum(1.0, MAX_NORM / (ny + 1e-08)), 1.0)
    o_ref[...] = y * s1


def _premap(x):
    return pl.pallas_call(
        _premap_body,
        out_shape=jax.ShapeDtypeStruct((N, D), jnp.float32),
        grid=(N // ROW_BLOCK,),
        in_specs=[pl.BlockSpec((ROW_BLOCK, D), lambda i: (i, 0))],
        out_specs=pl.BlockSpec((ROW_BLOCK, D), lambda i: (i, 0)),
    )(x)




def _postmap_body(p0_ref, p1_ref, w_ref, b_ref, o_ref):
    sup = p0_ref[...] + p1_ref[...]
    n0 = jnp.sqrt(jnp.sum(sup * sup, axis=1, keepdims=True))
    s0 = jnp.where(n0 > 0, jnp.minimum(1.0, MAX_NORM / (n0 + 1e-08)), 1.0)
    sc = sup * s0
    ny = jnp.sqrt(jnp.sum(sc * sc, axis=1, keepdims=True))
    ny = jnp.clip(ny, 0.0, 0.999)
    at = 0.5 * jnp.log((1.0 + ny) / (1.0 - ny))
    mapped = at * sc / (ny + 1e-08)
    o_ref[...] = (
        jnp.dot(mapped, w_ref[...], preferred_element_type=jnp.float32,
                precision=jax.lax.Precision.HIGHEST)
        + b_ref[...]
    )


def _postmap(p0, p1, w, b):
    return pl.pallas_call(
        _postmap_body,
        out_shape=jax.ShapeDtypeStruct((N, UNITS), jnp.float32),
        grid=(N // ROW_BLOCK,),
        in_specs=[
            pl.BlockSpec((ROW_BLOCK, D), lambda i: (i, 0)),
            pl.BlockSpec((ROW_BLOCK, D), lambda i: (i, 0)),
            pl.BlockSpec((D, UNITS), lambda i: (0, 0)),
            pl.BlockSpec((1, UNITS), lambda i: (0, 0)),
        ],
        out_specs=pl.BlockSpec((ROW_BLOCK, UNITS), lambda i: (i, 0)),
    )(p0, p1, w, b.reshape(1, UNITS))


def _sc_body(src_hbm, dst_hbm, xpk_hbm, zeros_hbm, out_hbm,
             src_v, dst_v, rows_v, sup_sh, sem_a):
    c = lax.axis_index("c")
    s = lax.axis_index("s")
    wid = c * NUM_SUBCORES + s

    pltpu.sync_copy(zeros_hbm, sup_sh.at[pl.ds(s * ZROWS, ZROWS)])
    pltpu.sync_copy(src_hbm.at[wid], src_v)
    pltpu.sync_copy(dst_hbm.at[wid], dst_v)
    plsc.subcore_barrier()

    def step(j, carry):
        pltpu.async_copy(xpk_hbm.at[src_v.at[j]], rows_v, sem_a).wait()
        pltpu.sync_copy(rows_v, sup_sh.at[dst_v.at[j]], add=True)
        return carry

    lax.fori_loop(0, NUM_CHUNKS, step, 0)
    plsc.subcore_barrier()

    pltpu.sync_copy(
        sup_sh.at[pl.ds(s * ZROWS, ZROWS)],
        out_hbm.at[c].at[pl.ds(s * ZROWS, ZROWS)],
    )


def _sc_aggregate(src_idx, dst_idx, xproj, zeros):
    mesh = plsc.VectorSubcoreMesh(
        core_axis_name="c", subcore_axis_name="s",
        num_cores=NUM_CORES, num_subcores=NUM_SUBCORES,
    )
    return pl.kernel(
        _sc_body,
        out_type=jax.ShapeDtypeStruct((NUM_CORES, ROWS_PER_SC, D), jnp.float32),
        mesh=mesh,
        scratch_types=[
            pltpu.VMEM((NUM_CHUNKS, CHUNK), jnp.int32),
            pltpu.VMEM((NUM_CHUNKS, CHUNK), jnp.int32),
            pltpu.VMEM((CHUNK, D), jnp.float32),
            pltpu.VMEM_SHARED((ROWS_PER_SC, D), jnp.float32),
            pltpu.SemaphoreType.DMA,
        ],
    )(src_idx, dst_idx, xproj, zeros)


def kernel(x, edge_index, kernel, bias):
    w = kernel
    xproj = _premap(x)

    dst = edge_index[0]
    src = edge_index[1]
    pad = E_PAD - E
    src_p = jnp.concatenate([src, jnp.zeros((pad,), jnp.int32)])
    dst_p = jnp.concatenate([dst, jnp.full((pad,), N, jnp.int32)])
    src_idx = src_p.reshape(NW, NUM_CHUNKS, CHUNK)
    dst_idx = dst_p.reshape(NW, NUM_CHUNKS, CHUNK)
    zeros = jnp.zeros((ZROWS, D), jnp.float32)

    partials = _sc_aggregate(src_idx, dst_idx, xproj, zeros)
    return _postmap(partials[0, :N], partials[1, :N], w, bias)

# --- scband reference (transcript-rebuilt; emitter-appended) ---
"""Pipeline reference for scband-hyperbolic-graph-conv-74131135529356 (READ-ONLY COPY).

The authoritative reference and input builder live on the scoring server;
editing this copy changes nothing except your own understanding.
"""

import jax, jax.numpy as jnp
import numpy as np

N = 10000
E = 320000
D = 128
UNITS = 128
CURV = 1.0
MAX_NORM = 0.9


def _clip_to_ball(x, max_norm):
    norm = jnp.linalg.norm(x, axis=-1, keepdims=True)
    scale = jnp.where(norm > 0, jnp.minimum(1.0, max_norm / (norm + 1e-08)), 1.0)
    return x * scale


def _poincare_expmap(v, c):
    norm_v = jnp.linalg.norm(v, axis=-1, keepdims=True)
    norm_v = jnp.clip(norm_v, 0.0, 10.0)
    return jnp.tanh(jnp.sqrt(c) * norm_v) * v / (jnp.sqrt(c) * norm_v + 1e-08)


def _poincare_logmap(y, c):
    norm_y = jnp.linalg.norm(y, axis=-1, keepdims=True)
    norm_y = jnp.clip(norm_y, 0.0, 0.999)
    return jnp.arctanh(jnp.sqrt(c) * norm_y) * y / (jnp.sqrt(c) * norm_y + 1e-08)


def setup_inputs(seed: int = 0) -> dict:
    key = jax.random.key(seed)
    k1, k2, k3, k4 = jax.random.split(key, 4)
    x = jax.random.normal(k1, (N, D), dtype=jnp.float32)
    edge_index = jax.random.randint(k2, (2, E), 0, N, dtype=jnp.int32)
    # ScaledNormalInitializer: normal + epsilon*normal, then l2-normalize along axis 0
    w = jax.random.normal(k3, (D, UNITS), dtype=jnp.float32)
    w = w + 0.001 * jax.random.normal(k4, (D, UNITS), dtype=jnp.float32)
    kernel = w / (jnp.linalg.norm(w, axis=0, keepdims=True) + 1e-12)
    bias = jnp.zeros((UNITS,), dtype=jnp.float32)
    return {"x": x, "edge_index": edge_index, "kernel": kernel, "bias": bias}


def reference(x, edge_index, kernel, bias):
    # hyperbolic (non-euclidean) mode
    x_clipped = _clip_to_ball(x, MAX_NORM)
    x_proj = _poincare_expmap(x_clipped, CURV)
    x_proj = _clip_to_ball(x_proj, MAX_NORM)
    # sparse adjacency aggregation: support[dst] += x_proj[src]
    dst = edge_index[0]
    src = edge_index[1]
    gathered = jnp.take(x_proj, src, axis=0)
    support = jax.ops.segment_sum(gathered, dst, num_segments=x.shape[0])
    support = _clip_to_ball(support, MAX_NORM)
    output = _poincare_logmap(support, CURV)
    output = jnp.matmul(output, kernel) + bias
    return output

if __name__ == "__main__":
    import jax
    _d = setup_inputs()
    print(jax.jit(kernel)(*tuple(_d.values())))

</pallas_src>

<mosaic_0001>
#map = affine_map<(d0, d1) -> (0, 0, 0)>
#map1 = affine_map<(d0, d1) -> (0, 0)>
module attributes {stable_mosaic.version = 14 : i64} {
  func.func @_sc_body(%arg0: i32, %arg1: i32, %arg2: memref<32x79x128xi32, #tpu.memory_space<hbm>>, %arg3: memref<32x79x128xi32, #tpu.memory_space<hbm>>, %arg4: memref<10000x128xf32, #tpu.memory_space<hbm>>, %arg5: memref<632x128xf32, #tpu.memory_space<hbm>>, %arg6: memref<2x10112x128xf32, #tpu.memory_space<hbm>>, %arg7: memref<79x128xi32, #tpu.memory_space<vmem>>, %arg8: memref<79x128xi32, #tpu.memory_space<vmem>>, %arg9: memref<128x128xf32, #tpu.memory_space<vmem>>, %arg10: memref<10112x128xf32, #tpu.memory_space<vmem_shared>>, %arg11: memref<!tpu.dma_semaphore, #tpu.memory_space<semaphore_mem>>) attributes {dimension_semantics = [#tpu.dimension_semantics<core_parallel>, #tpu.dimension_semantics<subcore_parallel>], iteration_bounds = array<i64: 2, 16>, scalar_prefetch = 0 : i64, scratch_operands = 5 : i64, tpu.core_type = #tpu.core_type<sc_vector_subcore>, window_params = [{transform_indices = #map}, {transform_indices = #map}, {transform_indices = #map1}, {transform_indices = #map1}, {transform_indices = #map}]} {
    %mul3A = arith.constant 16 : i32
    %mul3A_0 = arith.muli %arg0, %mul3A : i32
    %add3A = arith.addi %mul3A_0, %arg1 : i32
    %mul3A_1 = arith.constant 632 : i32
    %mul3A_2 = arith.muli %arg1, %mul3A_1 : i32
    "tpu.region"() ({
      %run_scoped3A = tpu.sem_alloc : memref<!tpu.dma_semaphore, #tpu.memory_space<semaphore_mem>>
      %dma_start3A = arith.constant 0 : i32
      %dma_start3A_13 = tpu.memref_slice %arg10[%mul3A_2, %dma_start3A] : memref<10112x128xf32, #tpu.memory_space<vmem_shared>> -> memref<632x128xf32, #tpu.memory_space<vmem_shared>>
      tpu.enqueue_dma source(%arg5 : memref<632x128xf32, #tpu.memory_space<hbm>>) target(%dma_start3A_13 : memref<632x128xf32, #tpu.memory_space<vmem_shared>>) target_semaphore(%run_scoped3A : memref<!tpu.dma_semaphore, #tpu.memory_space<semaphore_mem>>)
      %dma_wait3A = arith.constant 0 : i32
      %dma_wait3A_14 = tpu.memref_slice %arg10[%mul3A_2, %dma_wait3A] : memref<10112x128xf32, #tpu.memory_space<vmem_shared>> -> memref<632x128xf32, #tpu.memory_space<vmem_shared>>
      tpu.wait_dma2 semaphore(%run_scoped3A : memref<!tpu.dma_semaphore, #tpu.memory_space<semaphore_mem>>) src(%arg5 : memref<632x128xf32, #tpu.memory_space<hbm>>) dst(%dma_wait3A_14 : memref<632x128xf32, #tpu.memory_space<vmem_shared>>)
      tpu.yield
    }) : () -> ()
    "tpu.region"() ({
      %run_scoped3A = tpu.sem_alloc : memref<!tpu.dma_semaphore, #tpu.memory_space<semaphore_mem>>
      %dma_start3A = arith.constant 0 : i32
      %dma_start3A_13 = arith.constant 0 : i32
      %dma_start3A_14 = tpu.memref_slice %arg2[%add3A, %dma_start3A, %dma_start3A_13] : memref<32x79x128xi32, #tpu.memory_space<hbm>> -> memref<1x79x128xi32, #tpu.memory_space<hbm>>
      %dma_start3A_15 = tpu.memref_squeeze %dma_start3A_14 : memref<1x79x128xi32, #tpu.memory_space<hbm>> -> memref<79x128xi32, #tpu.memory_space<hbm>>
      %dma_start3A_16 = arith.constant 0 : i32
      %dma_start3A_17 = arith.constant 0 : i32
      %dma_start3A_18 = tpu.memref_slice %arg2[%add3A, %dma_start3A_16, %dma_start3A_17] : memref<32x79x128xi32, #tpu.memory_space<hbm>> -> memref<1x79x128xi32, #tpu.memory_space<hbm>>
      %dma_start3A_19 = tpu.memref_squeeze %dma_start3A_18 : memref<1x79x128xi32, #tpu.memory_space<hbm>> -> memref<79x128xi32, #tpu.memory_space<hbm>>
      tpu.enqueue_dma source(%dma_start3A_19 : memref<79x128xi32, #tpu.memory_space<hbm>>) target(%arg7 : memref<79x128xi32, #tpu.memory_space<vmem>>) target_semaphore(%run_scoped3A : memref<!tpu.dma_semaphore, #tpu.memory_space<semaphore_mem>>)
      %dma_wait3A = arith.constant 0 : i32
      %dma_wait3A_20 = arith.constant 0 : i32
      %dma_wait3A_21 = tpu.memref_slice %arg2[%add3A, %dma_wait3A, %dma_wait3A_20] : memref<32x79x128xi32, #tpu.memory_space<hbm>> -> memref<1x79x128xi32, #tpu.memory_space<hbm>>
      %dma_wait3A_22 = tpu.memref_squeeze %dma_wait3A_21 : memref<1x79x128xi32, #tpu.memory_space<hbm>> -> memref<79x128xi32, #tpu.memory_space<hbm>>
      %dma_wait3A_23 = arith.constant 0 : i32
      %dma_wait3A_24 = arith.constant 0 : i32
      %dma_wait3A_25 = tpu.memref_slice %arg2[%add3A, %dma_wait3A_23, %dma_wait3A_24] : memref<32x79x128xi32, #tpu.memory_space<hbm>> -> memref<1x79x128xi32, #tpu.memory_space<hbm>>
      %dma_wait3A_26 = tpu.memref_squeeze %dma_wait3A_25 : memref<1x79x128xi32, #tpu.memory_space<hbm>> -> memref<79x128xi32, #tpu.memory_space<hbm>>
      tpu.wait_dma2 semaphore(%run_scoped3A : memref<!tpu.dma_semaphore, #tpu.memory_space<semaphore_mem>>) src(%dma_wait3A_26 : memref<79x128xi32, #tpu.memory_space<hbm>>) dst(%arg7 : memref<79x128xi32, #tpu.memory_space<vmem>>)
      tpu.yield
    }) : () -> ()
    "tpu.region"() ({
      %run_scoped3A = tpu.sem_alloc : memref<!tpu.dma_semaphore, #tpu.memory_space<semaphore_mem>>
      %dma_start3A = arith.constant 0 : i32
      %dma_start3A_13 = arith.constant 0 : i32
      %dma_start3A_14 = tpu.memref_slice %arg3[%add3A, %dma_start3A, %dma_start3A_13] : memref<32x79x128xi32, #tpu.memory_space<hbm>> -> memref<1x79x128xi32, #tpu.memory_space<hbm>>
      %dma_start3A_15 = tpu.memref_squeeze %dma_start3A_14 : memref<1x79x128xi32, #tpu.memory_space<hbm>> -> memref<79x128xi32, #tpu.memory_space<hbm>>
      %dma_start3A_16 = arith.constant 0 : i32
      %dma_start3A_17 = arith.constant 0 : i32
      %dma_start3A_18 = tpu.memref_slice %arg3[%add3A, %dma_start3A_16, %dma_start3A_17] : memref<32x79x128xi32, #tpu.memory_space<hbm>> -> memref<1x79x128xi32, #tpu.memory_space<hbm>>
      %dma_start3A_19 = tpu.memref_squeeze %dma_start3A_18 : memref<1x79x128xi32, #tpu.memory_space<hbm>> -> memref<79x128xi32, #tpu.memory_space<hbm>>
      tpu.enqueue_dma source(%dma_start3A_19 : memref<79x128xi32, #tpu.memory_space<hbm>>) target(%arg8 : memref<79x128xi32, #tpu.memory_space<vmem>>) target_semaphore(%run_scoped3A : memref<!tpu.dma_semaphore, #tpu.memory_space<semaphore_mem>>)
      %dma_wait3A = arith.constant 0 : i32
      %dma_wait3A_20 = arith.constant 0 : i32
      %dma_wait3A_21 = tpu.memref_slice %arg3[%add3A, %dma_wait3A, %dma_wait3A_20] : memref<32x79x128xi32, #tpu.memory_space<hbm>> -> memref<1x79x128xi32, #tpu.memory_space<hbm>>
      %dma_wait3A_22 = tpu.memref_squeeze %dma_wait3A_21 : memref<1x79x128xi32, #tpu.memory_space<hbm>> -> memref<79x128xi32, #tpu.memory_space<hbm>>
      %dma_wait3A_23 = arith.constant 0 : i32
      %dma_wait3A_24 = arith.constant 0 : i32
      %dma_wait3A_25 = tpu.memref_slice %arg3[%add3A, %dma_wait3A_23, %dma_wait3A_24] : memref<32x79x128xi32, #tpu.memory_space<hbm>> -> memref<1x79x128xi32, #tpu.memory_space<hbm>>
      %dma_wait3A_26 = tpu.memref_squeeze %dma_wait3A_25 : memref<1x79x128xi32, #tpu.memory_space<hbm>> -> memref<79x128xi32, #tpu.memory_space<hbm>>
      tpu.wait_dma2 semaphore(%run_scoped3A : memref<!tpu.dma_semaphore, #tpu.memory_space<semaphore_mem>>) src(%dma_wait3A_26 : memref<79x128xi32, #tpu.memory_space<hbm>>) dst(%arg8 : memref<79x128xi32, #tpu.memory_space<vmem>>)
      tpu.yield
    }) : () -> ()
    %barrier3A = arith.constant 0 : index
    tpu.barrier barrier_id(%barrier3A)
    %scan3A = arith.constant 0 : i32
    %scan3A_3 = arith.constant 0 : i32
    %scan3A_4 = arith.constant 79 : i32
    %scan3A_5 = arith.addi %scan3A_3, %scan3A_4 : i32
    %scan3A_6 = arith.constant 1 : i32
    scf.for %scan3A_13 = %scan3A_3 to %scan3A_5 step %scan3A_6  : i32 {
      %dma_start3A = arith.constant 0 : i32
      %dma_start3A_14 = tpu.memref_slice %arg7[%scan3A_13, %dma_start3A] : memref<79x128xi32, #tpu.memory_space<vmem>> -> memref<1x128xi32, #tpu.memory_space<vmem>>
      %dma_start3A_15 = tpu.memref_squeeze %dma_start3A_14 : memref<1x128xi32, #tpu.memory_space<vmem>> -> memref<128xi32, #tpu.memory_space<vmem>>
      %dma_start3A_16 = arith.constant 0 : i32
      %dma_start3A_17 = arith.constant 0 : i32
      %dma_start3A_18 = tpu.memref_slice %arg4[%dma_start3A_16, %dma_start3A_17] : memref<10000x128xf32, #tpu.memory_space<hbm>> -> memref<10000x128xf32, #tpu.memory_space<hbm>>
      tpu.enqueue_indirect_dma source(%dma_start3A_18 : memref<10000x128xf32, #tpu.memory_space<hbm>>) target(%arg9 : memref<128x128xf32, #tpu.memory_space<vmem>>) offsets(%dma_start3A_15 : memref<128xi32, #tpu.memory_space<vmem>>) semaphore(%arg11 : memref<!tpu.dma_semaphore, #tpu.memory_space<semaphore_mem>>)
      %dma_wait3A = arith.constant 0 : i32
      %dma_wait3A_19 = tpu.memref_slice %arg7[%scan3A_13, %dma_wait3A] : memref<79x128xi32, #tpu.memory_space<vmem>> -> memref<1x128xi32, #tpu.memory_space<vmem>>
      %dma_wait3A_20 = tpu.memref_squeeze %dma_wait3A_19 : memref<1x128xi32, #tpu.memory_space<vmem>> -> memref<128xi32, #tpu.memory_space<vmem>>
      %dma_wait3A_21 = arith.constant 0 : i32
      %dma_wait3A_22 = arith.constant 0 : i32
      %dma_wait3A_23 = tpu.memref_slice %arg4[%dma_wait3A_21, %dma_wait3A_22] : memref<10000x128xf32, #tpu.memory_space<hbm>> -> memref<10000x128xf32, #tpu.memory_space<hbm>>
      tpu.wait_indirect_dma semaphore(%arg11 : memref<!tpu.dma_semaphore, #tpu.memory_space<semaphore_mem>>) src(%dma_wait3A_23 : memref<10000x128xf32, #tpu.memory_space<hbm>>) dst(%arg9 : memref<128x128xf32, #tpu.memory_space<vmem>>)
      "tpu.region"() ({
        %run_scoped3A = tpu.sem_alloc : memref<!tpu.dma_semaphore, #tpu.memory_space<semaphore_mem>>
        %dma_start3A_24 = arith.constant 0 : i32
        %dma_start3A_25 = tpu.memref_slice %arg8[%scan3A_13, %dma_start3A_24] : memref<79x128xi32, #tpu.memory_space<vmem>> -> memref<1x128xi32, #tpu.memory_space<vmem>>
        %dma_start3A_26 = tpu.memref_squeeze %dma_start3A_25 : memref<1x128xi32, #tpu.memory_space<vmem>> -> memref<128xi32, #tpu.memory_space<vmem>>
        %dma_start3A_27 = arith.constant 0 : i32
        %dma_start3A_28 = arith.constant 0 : i32
        %dma_start3A_29 = tpu.memref_slice %arg10[%dma_start3A_27, %dma_start3A_28] : memref<10112x128xf32, #tpu.memory_space<vmem_shared>> -> memref<10112x128xf32, #tpu.memory_space<vmem_shared>>
        tpu.enqueue_indirect_dma source(%arg9 : memref<128x128xf32, #tpu.memory_space<vmem>>) target(%dma_start3A_29 : memref<10112x128xf32, #tpu.memory_space<vmem_shared>>) offsets(%dma_start3A_26 : memref<128xi32, #tpu.memory_space<vmem>>) semaphore(%run_scoped3A : memref<!tpu.dma_semaphore, #tpu.memory_space<semaphore_mem>>) {add = true}
        %dma_wait3A_30 = arith.constant 0 : i32
        %dma_wait3A_31 = tpu.memref_slice %arg8[%scan3A_13, %dma_wait3A_30] : memref<79x128xi32, #tpu.memory_space<vmem>> -> memref<1x128xi32, #tpu.memory_space<vmem>>
        %dma_wait3A_32 = tpu.memref_squeeze %dma_wait3A_31 : memref<1x128xi32, #tpu.memory_space<vmem>> -> memref<128xi32, #tpu.memory_space<vmem>>
        %dma_wait3A_33 = arith.constant 0 : i32
        %dma_wait3A_34 = arith.constant 0 : i32
        %dma_wait3A_35 = tpu.memref_slice %arg10[%dma_wait3A_33, %dma_wait3A_34] : memref<10112x128xf32, #tpu.memory_space<vmem_shared>> -> memref<10112x128xf32, #tpu.memory_space<vmem_shared>>
        tpu.wait_indirect_dma semaphore(%run_scoped3A : memref<!tpu.dma_semaphore, #tpu.memory_space<semaphore_mem>>) src(%arg9 : memref<128x128xf32, #tpu.memory_space<vmem>>) dst(%dma_wait3A_35 : memref<10112x128xf32, #tpu.memory_space<vmem_shared>>)
        tpu.yield
      }) : () -> ()
    }
    %scan3A_7 = arith.constant 79 : i32
    %barrier3A_8 = arith.constant 0 : index
    tpu.barrier barrier_id(%barrier3A_8)
    %mul3A_9 = arith.constant 632 : i32
    %mul3A_10 = arith.muli %arg1, %mul3A_9 : i32
    %mul3A_11 = arith.constant 632 : i32
    %mul3A_12 = arith.muli %arg1, %mul3A_11 : i32
    "tpu.region"() ({
      %run_scoped3A = tpu.sem_alloc : memref<!tpu.dma_semaphore, #tpu.memory_space<semaphore_mem>>
      %dma_start3A = arith.constant 0 : i32
      %dma_start3A_13 = arith.constant 0 : i32
      %dma_start3A_14 = tpu.memref_slice %arg6[%arg0, %dma_start3A, %dma_start3A_13] : memref<2x10112x128xf32, #tpu.memory_space<hbm>> -> memref<1x10112x128xf32, #tpu.memory_space<hbm>>
      %dma_start3A_15 = tpu.memref_squeeze %dma_start3A_14 : memref<1x10112x128xf32, #tpu.memory_space<hbm>> -> memref<10112x128xf32, #tpu.memory_space<hbm>>
      %dma_start3A_16 = arith.constant 0 : i32
      %dma_start3A_17 = tpu.memref_slice %dma_start3A_15[%mul3A_12, %dma_start3A_16] : memref<10112x128xf32, #tpu.memory_space<hbm>> -> memref<632x128xf32, #tpu.memory_space<hbm>>
      %dma_start3A_18 = arith.constant 0 : i32
      %dma_start3A_19 = tpu.memref_slice %arg10[%mul3A_10, %dma_start3A_18] : memref<10112x128xf32, #tpu.memory_space<vmem_shared>> -> memref<632x128xf32, #tpu.memory_space<vmem_shared>>
      tpu.enqueue_dma source(%dma_start3A_19 : memref<632x128xf32, #tpu.memory_space<vmem_shared>>) target(%dma_start3A_17 : memref<632x128xf32, #tpu.memory_space<hbm>>) target_semaphore(%run_scoped3A : memref<!tpu.dma_semaphore, #tpu.memory_space<semaphore_mem>>)
      %dma_wait3A = arith.constant 0 : i32
      %dma_wait3A_20 = arith.constant 0 : i32
      %dma_wait3A_21 = tpu.memref_slice %arg6[%arg0, %dma_wait3A, %dma_wait3A_20] : memref<2x10112x128xf32, #tpu.memory_space<hbm>> -> memref<1x10112x128xf32, #tpu.memory_space<hbm>>
      %dma_wait3A_22 = tpu.memref_squeeze %dma_wait3A_21 : memref<1x10112x128xf32, #tpu.memory_space<hbm>> -> memref<10112x128xf32, #tpu.memory_space<hbm>>
      %dma_wait3A_23 = arith.constant 0 : i32
      %dma_wait3A_24 = tpu.memref_slice %dma_wait3A_22[%mul3A_12, %dma_wait3A_23] : memref<10112x128xf32, #tpu.memory_space<hbm>> -> memref<632x128xf32, #tpu.memory_space<hbm>>
      %dma_wait3A_25 = arith.constant 0 : i32
      %dma_wait3A_26 = tpu.memref_slice %arg10[%mul3A_10, %dma_wait3A_25] : memref<10112x128xf32, #tpu.memory_space<vmem_shared>> -> memref<632x128xf32, #tpu.memory_space<vmem_shared>>
      tpu.wait_dma2 semaphore(%run_scoped3A : memref<!tpu.dma_semaphore, #tpu.memory_space<semaphore_mem>>) src(%dma_wait3A_26 : memref<632x128xf32, #tpu.memory_space<vmem_shared>>) dst(%dma_wait3A_24 : memref<632x128xf32, #tpu.memory_space<hbm>>)
      tpu.yield
    }) : () -> ()
    return
  }
}

module attributes {stable_mosaic.version = 14 : i64} {
  func.func @_premap_body(%arg0: i32, %arg1: memref<1000x128xf32, #tpu.memory_space<vmem>>, %arg2: memref<1000x128xf32, #tpu.memory_space<vmem>>) attributes {dimension_semantics = [#tpu.dimension_semantics<arbitrary>], iteration_bounds = array<i64: 10>, scalar_prefetch = 0 : i64, scratch_operands = 0 : i64, tpu.core_type = #tpu.core_type<tc>, window_params = [{transform_indices = @transform_0, window_bounds = array<i64: 1000, 128>}, {transform_indices = @transform_1, window_bounds = array<i64: 1000, 128>}]} {
    %get3A = arith.constant 0 : index
    %get3A_0 = arith.constant 0 : index
    %get3A_1 = vector.load %arg1[%get3A, %get3A_0] : memref<1000x128xf32, #tpu.memory_space<vmem>>, vector<1000x128xf32>
    %mul3A = arith.mulf %get3A_1, %get3A_1 : vector<1000x128xf32>
    %reduce_sum3A = arith.constant dense<0.000000e+00> : vector<1000xf32>
    %reduce_sum3A_2 = vector.multi_reduction <add>, %mul3A, %reduce_sum3A [1] : vector<1000x128xf32> to vector<1000xf32>
    %broadcast_in_dim3A = vector.shape_cast %reduce_sum3A_2 : vector<1000xf32> to vector<1000x1xf32>
    %sqrt3A = math.sqrt %broadcast_in_dim3A : vector<1000x1xf32>
    %gt3A = arith.constant 0.000000e+00 : f32
    %gt3A_3 = vector.broadcast %gt3A : f32 to vector<1000x1xf32>
    %gt3A_4 = arith.cmpf ogt, %sqrt3A, %gt3A_3 : vector<1000x1xf32>
    %add3A = arith.constant 9.99999993E-9 : f32
    %add3A_5 = vector.broadcast %add3A : f32 to vector<1000x1xf32>
    %add3A_6 = arith.addf %sqrt3A, %add3A_5 : vector<1000x1xf32>
    %div3A = arith.constant 0.899999976 : f32
    %div3A_7 = vector.broadcast %div3A : f32 to vector<1000x1xf32>
    %div3A_8 = arith.divf %div3A_7, %add3A_6 : vector<1000x1xf32>
    %min3A = arith.constant 1.000000e+00 : f32
    %min3A_9 = vector.broadcast %min3A : f32 to vector<1000x1xf32>
    %min3A_10 = arith.minimumf %min3A_9, %div3A_8 : vector<1000x1xf32>
    %jit3A = arith.constant 1.000000e+00 : f32
    %broadcast_in_dim3A_11 = vector.broadcast %jit3A : f32 to vector<1000x1xf32>
    %select_n3A = arith.select %gt3A_4, %min3A_10, %broadcast_in_dim3A_11 : vector<1000x1xi1>, vector<1000x1xf32>
    %mul3A_12 = vector.broadcast %select_n3A : vector<1000x1xf32> to vector<1000x128xf32>
    %mul3A_13 = arith.mulf %get3A_1, %mul3A_12 : vector<1000x128xf32>
    %mul3A_14 = arith.mulf %mul3A_13, %mul3A_13 : vector<1000x128xf32>
    %reduce_sum3A_15 = arith.constant dense<0.000000e+00> : vector<1000xf32>
    %reduce_sum3A_16 = vector.multi_reduction <add>, %mul3A_14, %reduce_sum3A_15 [1] : vector<1000x128xf32> to vector<1000xf32>
    %broadcast_in_dim3A_17 = vector.shape_cast %reduce_sum3A_16 : vector<1000xf32> to vector<1000x1xf32>
    %sqrt3A_18 = math.sqrt %broadcast_in_dim3A_17 : vector<1000x1xf32>
    %jit3A_19 = arith.constant 0.000000e+00 : f32
    %jit3A_20 = arith.constant 1.000000e+01 : f32
    %max3A = vector.broadcast %jit3A_19 : f32 to vector<1000x1xf32>
    %max3A_21 = arith.maximumf %max3A, %sqrt3A_18 : vector<1000x1xf32>
    %min3A_22 = vector.broadcast %jit3A_20 : f32 to vector<1000x1xf32>
    %min3A_23 = arith.minimumf %min3A_22, %max3A_21 : vector<1000x1xf32>
    %tanh3A = math.tanh %min3A_23 : vector<1000x1xf32>
    %mul3A_24 = vector.broadcast %tanh3A : vector<1000x1xf32> to vector<1000x128xf32>
    %mul3A_25 = arith.mulf %mul3A_24, %mul3A_13 : vector<1000x128xf32>
    %add3A_26 = arith.constant 9.99999993E-9 : f32
    %add3A_27 = vector.broadcast %add3A_26 : f32 to vector<1000x1xf32>
    %add3A_28 = arith.addf %min3A_23, %add3A_27 : vector<1000x1xf32>
    %div3A_29 = vector.broadcast %add3A_28 : vector<1000x1xf32> to vector<1000x128xf32>
    %div3A_30 = arith.divf %mul3A_25, %div3A_29 : vector<1000x128xf32>
    %mul3A_31 = arith.mulf %div3A_30, %div3A_30 : vector<1000x128xf32>
    %reduce_sum3A_32 = arith.constant dense<0.000000e+00> : vector<1000xf32>
    %reduce_sum3A_33 = vector.multi_reduction <add>, %mul3A_31, %reduce_sum3A_32 [1] : vector<1000x128xf32> to vector<1000xf32>
    %broadcast_in_dim3A_34 = vector.shape_cast %reduce_sum3A_33 : vector<1000xf32> to vector<1000x1xf32>
    %sqrt3A_35 = math.sqrt %broadcast_in_dim3A_34 : vector<1000x1xf32>
    %gt3A_36 = arith.constant 0.000000e+00 : f32
    %gt3A_37 = vector.broadcast %gt3A_36 : f32 to vector<1000x1xf32>
    %gt3A_38 = arith.cmpf ogt, %sqrt3A_35, %gt3A_37 : vector<1000x1xf32>
    %add3A_39 = arith.constant 9.99999993E-9 : f32
    %add3A_40 = vector.broadcast %add3A_39 : f32 to vector<1000x1xf32>
    %add3A_41 = arith.addf %sqrt3A_35, %add3A_40 : vector<1000x1xf32>
    %div3A_42 = arith.constant 0.899999976 : f32
    %div3A_43 = vector.broadcast %div3A_42 : f32 to vector<1000x1xf32>
    %div3A_44 = arith.divf %div3A_43, %add3A_41 : vector<1000x1xf32>
    %min3A_45 = arith.constant 1.000000e+00 : f32
    %min3A_46 = vector.broadcast %min3A_45 : f32 to vector<1000x1xf32>
    %min3A_47 = arith.minimumf %min3A_46, %div3A_44 : vector<1000x1xf32>
    %jit3A_48 = arith.constant 1.000000e+00 : f32
    %broadcast_in_dim3A_49 = vector.broadcast %jit3A_48 : f32 to vector<1000x1xf32>
    %select_n3A_50 = arith.select %gt3A_38, %min3A_47, %broadcast_in_dim3A_49 : vector<1000x1xi1>, vector<1000x1xf32>
    %mul3A_51 = vector.broadcast %select_n3A_50 : vector<1000x1xf32> to vector<1000x128xf32>
    %mul3A_52 = arith.mulf %div3A_30, %mul3A_51 : vector<1000x128xf32>
    %swap3A = arith.constant 0 : index
    %swap3A_53 = arith.constant 0 : index
    %swap3A_54 = vector.load %arg2[%swap3A, %swap3A_53] : memref<1000x128xf32, #tpu.memory_space<vmem>>, vector<1000x128xf32>
    tpu.vector_store %arg2[%swap3A, %swap3A_53], %mul3A_52 {strides = array<i32>} : memref<1000x128xf32, #tpu.memory_space<vmem>>, vector<1000x128xf32>,
    return
  }
  func.func @transform_0(%arg0: i32) -> (i32, i32) {
    %c0_i32 = arith.constant 0 : i32
    %c0_i32_0 = arith.constant 0 : i32
    return %arg0, %c0_i32 : i32, i32
  }
  func.func @transform_1(%arg0: i32) -> (i32, i32) {
    %c0_i32 = arith.constant 0 : i32
    %c0_i32_0 = arith.constant 0 : i32
    return %arg0, %c0_i32 : i32, i32
  }
}

module attributes {stable_mosaic.version = 14 : i64} {
  func.func @_postmap_body(%arg0: i32, %arg1: memref<1000x128xf32, #tpu.memory_space<vmem>>, %arg2: memref<1000x128xf32, #tpu.memory_space<vmem>>, %arg3: memref<128x128xf32, #tpu.memory_space<vmem>>, %arg4: memref<1x128xf32, #tpu.memory_space<vmem>>, %arg5: memref<1000x128xf32, #tpu.memory_space<vmem>>) attributes {dimension_semantics = [#tpu.dimension_semantics<arbitrary>], iteration_bounds = array<i64: 10>, scalar_prefetch = 0 : i64, scratch_operands = 0 : i64, tpu.core_type = #tpu.core_type<tc>, window_params = [{transform_indices = @transform_0, window_bounds = array<i64: 1000, 128>}, {transform_indices = @transform_1, window_bounds = array<i64: 1000, 128>}, {pipeline_mode = #tpu.pipeline_mode<synchronous>, transform_indices = @transform_2, window_bounds = array<i64: 128, 128>}, {pipeline_mode = #tpu.pipeline_mode<synchronous>, transform_indices = @transform_3, window_bounds = array<i64: 1, 128>}, {transform_indices = @transform_4, window_bounds = array<i64: 1000, 128>}]} {
    %get3A = arith.constant 0 : index
    %get3A_0 = arith.constant 0 : index
    %get3A_1 = vector.load %arg1[%get3A, %get3A_0] : memref<1000x128xf32, #tpu.memory_space<vmem>>, vector<1000x128xf32>
    %get3A_2 = arith.constant 0 : index
    %get3A_3 = arith.constant 0 : index
    %get3A_4 = vector.load %arg2[%get3A_2, %get3A_3] : memref<1000x128xf32, #tpu.memory_space<vmem>>, vector<1000x128xf32>
    %add3A = arith.addf %get3A_1, %get3A_4 : vector<1000x128xf32>
    %mul3A = arith.mulf %add3A, %add3A : vector<1000x128xf32>
    %reduce_sum3A = arith.constant dense<0.000000e+00> : vector<1000xf32>
    %reduce_sum3A_5 = vector.multi_reduction <add>, %mul3A, %reduce_sum3A [1] : vector<1000x128xf32> to vector<1000xf32>
    %broadcast_in_dim3A = vector.shape_cast %reduce_sum3A_5 : vector<1000xf32> to vector<1000x1xf32>
    %sqrt3A = math.sqrt %broadcast_in_dim3A : vector<1000x1xf32>
    %gt3A = arith.constant 0.000000e+00 : f32
    %gt3A_6 = vector.broadcast %gt3A : f32 to vector<1000x1xf32>
    %gt3A_7 = arith.cmpf ogt, %sqrt3A, %gt3A_6 : vector<1000x1xf32>
    %add3A_8 = arith.constant 9.99999993E-9 : f32
    %add3A_9 = vector.broadcast %add3A_8 : f32 to vector<1000x1xf32>
    %add3A_10 = arith.addf %sqrt3A, %add3A_9 : vector<1000x1xf32>
    %div3A = arith.constant 0.899999976 : f32
    %div3A_11 = vector.broadcast %div3A : f32 to vector<1000x1xf32>
    %div3A_12 = arith.divf %div3A_11, %add3A_10 : vector<1000x1xf32>
    %min3A = arith.constant 1.000000e+00 : f32
    %min3A_13 = vector.broadcast %min3A : f32 to vector<1000x1xf32>
    %min3A_14 = arith.minimumf %min3A_13, %div3A_12 : vector<1000x1xf32>
    %jit3A = arith.constant 1.000000e+00 : f32
    %broadcast_in_dim3A_15 = vector.broadcast %jit3A : f32 to vector<1000x1xf32>
    %select_n3A = arith.select %gt3A_7, %min3A_14, %broadcast_in_dim3A_15 : vector<1000x1xi1>, vector<1000x1xf32>
    %mul3A_16 = vector.broadcast %select_n3A : vector<1000x1xf32> to vector<1000x128xf32>
    %mul3A_17 = arith.mulf %add3A, %mul3A_16 : vector<1000x128xf32>
    %mul3A_18 = arith.mulf %mul3A_17, %mul3A_17 : vector<1000x128xf32>
    %reduce_sum3A_19 = arith.constant dense<0.000000e+00> : vector<1000xf32>
    %reduce_sum3A_20 = vector.multi_reduction <add>, %mul3A_18, %reduce_sum3A_19 [1] : vector<1000x128xf32> to vector<1000xf32>
    %broadcast_in_dim3A_21 = vector.shape_cast %reduce_sum3A_20 : vector<1000xf32> to vector<1000x1xf32>
    %sqrt3A_22 = math.sqrt %broadcast_in_dim3A_21 : vector<1000x1xf32>
    %jit3A_23 = arith.constant 0.000000e+00 : f32
    %jit3A_24 = arith.constant 9.990000e-01 : f32
    %max3A = vector.broadcast %jit3A_23 : f32 to vector<1000x1xf32>
    %max3A_25 = arith.maximumf %max3A, %sqrt3A_22 : vector<1000x1xf32>
    %min3A_26 = vector.broadcast %jit3A_24 : f32 to vector<1000x1xf32>
    %min3A_27 = arith.minimumf %min3A_26, %max3A_25 : vector<1000x1xf32>
    %add3A_28 = arith.constant 1.000000e+00 : f32
    %add3A_29 = vector.broadcast %add3A_28 : f32 to vector<1000x1xf32>
    %add3A_30 = arith.addf %add3A_29, %min3A_27 : vector<1000x1xf32>
    %sub3A = arith.constant 1.000000e+00 : f32
    %sub3A_31 = vector.broadcast %sub3A : f32 to vector<1000x1xf32>
    %sub3A_32 = arith.subf %sub3A_31, %min3A_27 : vector<1000x1xf32>
    %div3A_33 = arith.divf %add3A_30, %sub3A_32 : vector<1000x1xf32>
    %log3A = math.log %div3A_33 : vector<1000x1xf32>
    %mul3A_34 = arith.constant 5.000000e-01 : f32
    %mul3A_35 = vector.broadcast %mul3A_34 : f32 to vector<1000x1xf32>
    %mul3A_36 = arith.mulf %mul3A_35, %log3A : vector<1000x1xf32>
    %mul3A_37 = vector.broadcast %mul3A_36 : vector<1000x1xf32> to vector<1000x128xf32>
    %mul3A_38 = arith.mulf %mul3A_37, %mul3A_17 : vector<1000x128xf32>
    %add3A_39 = arith.constant 9.99999993E-9 : f32
    %add3A_40 = vector.broadcast %add3A_39 : f32 to vector<1000x1xf32>
    %add3A_41 = arith.addf %min3A_27, %add3A_40 : vector<1000x1xf32>
    %div3A_42 = vector.broadcast %add3A_41 : vector<1000x1xf32> to vector<1000x128xf32>
    %div3A_43 = arith.divf %mul3A_38, %div3A_42 : vector<1000x128xf32>
    %get3A_44 = arith.constant 0 : index
    %get3A_45 = arith.constant 0 : index
    %get3A_46 = vector.load %arg3[%get3A_44, %get3A_45] : memref<128x128xf32, #tpu.memory_space<vmem>>, vector<128x128xf32>
    %dot_general3A = arith.constant dense<0.000000e+00> : vector<1000x128xf32>
    %dot_general3A_47 = tpu.matmul %div3A_43, %get3A_46, %dot_general3A {dimension_numbers = #tpu.dot_dimension_numbers<[1], [0], [0], [1], [0, 0, 1, 1], [], []>, precision = #tpu.contract_precision<fp32>, transpose_lhs_hint = false} : vector<1000x128xf32>, vector<128x128xf32>, vector<1000x128xf32> -> vector<1000x128xf32>
    %get3A_48 = arith.constant 0 : index
    %get3A_49 = arith.constant 0 : index
    %get3A_50 = vector.load %arg4[%get3A_48, %get3A_49] : memref<1x128xf32, #tpu.memory_space<vmem>>, vector<1x128xf32>
    %add3A_51 = vector.broadcast %get3A_50 : vector<1x128xf32> to vector<1000x128xf32>
    %add3A_52 = arith.addf %dot_general3A_47, %add3A_51 : vector<1000x128xf32>
    %swap3A = arith.constant 0 : index
    %swap3A_53 = arith.constant 0 : index
    %swap3A_54 = vector.load %arg5[%swap3A, %swap3A_53] : memref<1000x128xf32, #tpu.memory_space<vmem>>, vector<1000x128xf32>
    tpu.vector_store %arg5[%swap3A, %swap3A_53], %add3A_52 {strides = array<i32>} : memref<1000x128xf32, #tpu.memory_space<vmem>>, vector<1000x128xf32>,
    return
  }
  func.func @transform_0(%arg0: i32) -> (i32, i32) {
    %c0_i32 = arith.constant 0 : i32
    %c0_i32_0 = arith.constant 0 : i32
    return %arg0, %c0_i32 : i32, i32
  }
  func.func @transform_1(%arg0: i32) -> (i32, i32) {
    %c0_i32 = arith.constant 0 : i32
    %c0_i32_0 = arith.constant 0 : i32
    return %arg0, %c0_i32 : i32, i32
  }
  func.func @transform_2(%arg0: i32) -> (i32, i32) {
    %c0_i32 = arith.constant 0 : i32
    %c0_i32_0 = arith.constant 0 : i32
    %c0_i32_1 = arith.constant 0 : i32
    return %c0_i32, %c0_i32_0 : i32, i32
  }
  func.func @transform_3(%arg0: i32) -> (i32, i32) {
    %c0_i32 = arith.constant 0 : i32
    %c0_i32_0 = arith.constant 0 : i32
    %c0_i32_1 = arith.constant 0 : i32
    return %c0_i32, %c0_i32_0 : i32, i32
  }
  func.func @transform_4(%arg0: i32) -> (i32, i32) {
    %c0_i32 = arith.constant 0 : i32
    %c0_i32_0 = arith.constant 0 : i32
    return %arg0, %c0_i32 : i32, i32
  }
}

</mosaic_0001>

<sc_bundles>
// kernel: kernel.6.cloned.1.call-start
scs
__scs_entry_jumppad:
0x0: {  	(pc) =	sbr.rel $0x88, $3  }
0x1: {  	(tag) =	ssettag $0x0;
	lr =	simm.s32 $0x1  }
0x2: {  	[smem:$0x3F9D] =	sst lr;
	_ =	strace $0xD0000000  }
0x3: {  	_ = 	snop  }
0x4: {  	_ = 	snop  }
0x5: {  	_ = 	snop  }
0x6: {  	_ = 	snop  }
0x7: {  	_ = 	snop  }
__scs_overlays_trampoline_lowered:
0x8: {  	[smem:$0x3FAC] =	sst s0  }
0x9: {  	[smem:$0x3FAD] =	sst s1  }
0xa: {  	[smem:$0x3FAE] =	sst s2  }
0xb: {  	[smem:$0x3FAF] =	sst s3  }
0xc: {  	[smem:$0x3FB0] =	sst s4  }
0xd: {  	[smem:$0x3FB1] =	sst s5  }
0xe: {  	[smem:$0x3FB2] =	sst s6  }
0xf: {  	[smem:$0x3FB3] =	sst s7  }
0x10: {  	[smem:$0x3FB4] =	sst s8  }
0x11: {  	[smem:$0x3FB5] =	sst s9;
	s0 =	simm.s32 @!p0 $0x0  }
0x12: {  	s1 =	sld [smem:$0x3F9B];
	s0 =	simm.s32 @p0 $0x1  }
0x13: {  	[smem:$0x3FB6] =	sst s0;
	s0 =	simm.s32 @!p1 $0x0  }
0x14: {  	s2 =	sld [smem:$0x3F9A];
	s0 =	simm.s32 @p1 $0x1  }
0x15: {  	[smem:$0x3FB7] =	sst s0;
	s0 =	simm.s32 @!p2 $0x0  }
0x16: {  	s3 =	sld [smem:$0x3FDB];
	s0 =	simm.s32 @p2 $0x1  }
0x17: {  	s4 =	simm.s32 $0x1BF5;
	[smem:$0x3FB9] =	sst s0  }
0x18: {  	s0 =	sld [smem:$0x3F9C];
	_ =	swait.ge [sflag:s4], $0x0  }
0x19: {  	s7 =	sld [smem:$0x3F9D]  }
0x1a: {  	s8 =	sadd.s32 $0xFFFFE003, lr  }
0x1b: {  	s9 =	sadd.s32 $0xFFFFFEF7, lr;
	s5 =	simm.s32 $0xFFFFFFFF;
	p2 =	slt.u32 s8, $0xFFFFF086  }
0x1c: {  	p1 =	slt.u32 s9, $0xF7A;
	s5 =	simm.s32 @!p2 $0x0  }
0x1d: {  	s5 =	simm.s32 @p1 $0x1;
	p0 =	seq.s32 s7, s2  }
0x1e: {  	s7 =	smul.u32 @!p0 $0xF7A, s2;
	p2 =	seq.s32 @!p0 s5, $0x0  }
0x1f: {  	s9 =	smul.u32 $0xF7A, s1;
	s8 =	simm.s32 @!p0 $0x1BF5;
	p2 =	por !p2, p0  }
0x20: {  	[sflag:s8] =	ssyncset.s32 @!p0 $0xFFFFF086;
	s6 =	sadd.s32 @!p0 s3, s7;
	s7 =	simm.s32 @!p0 $0x108  }
0x21: {  	s3 =	sadd.s32 s3, s9;
	s6 =	sadd.s32 @!p0 $0x88, s6;
	s7 =	simm.s32 @p2 $0x1082  }
0x22: {  	[simem:s7], [sflag:s8] =	dma.local @!p0 [hbm:s6], $0xF7A  }
0x23: {  	s9 =	sor.u32 $0xD0000000, s2;
	s6 =	simm.s32 $0x108;
	_ =	swait.ge @!p0 [sflag:s8], $0x0  }
0x24: {  	s3 =	sadd.s32 $0x88, s3;
	s6 =	simm.s32 @!p1 $0x1082;
	[sflag:s4] =	ssyncset.s32 $0xFFFFF086  }
0x25: {  	[simem:s6], [sflag:s4] =	dma.local [hbm:s3], $0xF7A  }
0x26: {  	[smem:$0x3F9D] =	sst s1;
	(tag) =	ssettag s2;
	_ =	strace s9  }
0x27: {  	s1 =	sld [smem:$0x3FAD]  }
0x28: {  	s2 =	sld [smem:$0x3FAE]  }
0x29: {  	s4 =	sld [smem:$0x3FB0]  }
0x2a: {  	p0 =	seq.s32 s5, $0x0;
	s5 =	sld [smem:$0x3FB1]  }
0x2b: {  	s6 =	sld [smem:$0x3FB2]  }
0x2c: {  	s7 =	sld [smem:$0x3FB3]  }
0x2d: {  	s3 =	simm.s32 $0x108;
	s8 =	sld [smem:$0x3FB4]  }
0x2e: {  	s3 =	simm.s32 @!p0 $0x1082;
	s9 =	sld [smem:$0x3FB5]  }
0x2f: {  	lr =	sadd.s32 s0, s3;
	s0 =	sld [smem:$0x3FAC]  }
0x30: {  	s3 =	sld [smem:$0x3FAF]  }
0x31: {  	[smem:$0x3FB8] =	sst s10  }
0x32: {  	s10 =	sld [smem:$0x3FB6];
	_ =	sdelay $0x3  }
0x33: {  	p0 =	seq.s32 s10, $0x1;
	s10 =	sld [smem:$0x3FB8];
	_ =	sdelay $0x3  }
0x34: {  	[smem:$0x3FB8] =	sst s10  }
0x35: {  	s10 =	sld [smem:$0x3FB7];
	_ =	sdelay $0x3  }
0x36: {  	p1 =	seq.s32 s10, $0x1;
	s10 =	sld [smem:$0x3FB8];
	_ =	sdelay $0x3  }
0x37: {  	[smem:$0x3FB8] =	sst s10  }
0x38: {  	s10 =	sld [smem:$0x3FB9]  }
0x39: {  	_ = 	snop;
	(pc) =	sbr.ind lr, $3  }
0x3a: {  	_ = 	snop  }
0x3b: {  	_ = 	snop  }
0x3c: {  	p2 =	seq.s32 s10, $0x1;
	s10 =	sld [smem:$0x3FB8]  }
0x3d: {  	_ =	shalt  }
0x3e: {  	_ =	shalt  }
0x3f: {  	_ =	shalt  }
0x40: {  	_ =	shalt  }
0x41: {  	_ =	shalt  }
0x42: {  	_ =	shalt  }
0x43: {  	_ =	shalt  }
0x44: {  	_ =	shalt  }
0x45: {  	_ =	shalt  }
0x46: {  	_ =	shalt  }
0x47: {  	_ =	shalt  }
0x48: {  	_ =	shalt  }
0x49: {  	_ =	shalt  }
0x4a: {  	_ =	shalt  }
0x4b: {  	_ =	shalt  }
0x4c: {  	_ =	shalt  }
0x4d: {  	_ =	shalt  }
0x4e: {  	_ =	shalt  }
0x4f: {  	_ =	shalt  }
0x50: {  	_ =	shalt  }
0x51: {  	_ =	shalt  }
0x52: {  	_ =	shalt  }
0x53: {  	_ =	shalt  }
0x54: {  	_ =	shalt  }
0x55: {  	_ =	shalt  }
0x56: {  	_ =	shalt  }
0x57: {  	_ =	shalt  }
0x58: {  	_ =	shalt  }
0x59: {  	_ =	shalt  }
0x5a: {  	_ =	shalt  }
0x5b: {  	_ =	shalt  }
0x5c: {  	_ =	shalt  }
0x5d: {  	_ =	shalt  }
0x5e: {  	_ =	shalt  }
0x5f: {  	_ =	shalt  }
0x60: {  	_ =	shalt  }
0x61: {  	_ =	shalt  }
0x62: {  	_ =	shalt  }
0x63: {  	_ =	shalt  }
0x64: {  	_ =	shalt  }
0x65: {  	_ =	shalt  }
0x66: {  	_ =	shalt  }
0x67: {  	_ =	shalt  }
0x68: {  	_ =	shalt  }
0x69: {  	_ =	shalt  }
0x6a: {  	_ =	shalt  }
0x6b: {  	_ =	shalt  }
0x6c: {  	_ =	shalt  }
0x6d: {  	_ =	shalt  }
0x6e: {  	_ =	shalt  }
0x6f: {  	_ =	shalt  }
0x70: {  	_ =	shalt  }
0x71: {  	_ =	shalt  }
0x72: {  	_ =	shalt  }
0x73: {  	_ =	shalt  }
0x74: {  	_ =	shalt  }
0x75: {  	_ =	shalt  }
0x76: {  	_ =	shalt  }
0x77: {  	_ =	shalt  }
0x78: {  	_ =	shalt  }
0x79: {  	_ =	shalt  }
0x7a: {  	_ =	shalt  }
0x7b: {  	_ =	shalt  }
0x7c: {  	_ =	shalt  }
0x7d: {  	_ =	shalt  }
0x7e: {  	_ =	shalt  }
0x7f: {  	_ =	shalt  }
0x80: {  	_ =	shalt  }
0x81: {  	_ =	shalt  }
0x82: {  	_ =	shalt  }
0x83: {  	_ =	shalt  }
0x84: {  	_ =	shalt  }
0x85: {  	_ =	shalt  }
0x86: {  	_ =	shalt  }
0x87: {  	_ =	shalt  }
.Lfunc_end0:
.L_simem_size_0:
called_computation_lowered:
.L_overlay_start_0:
0x88: {  	s2 =	sld [smem:$0x3FD9]  }
0x89: {  	s3 =	sld [smem:$0x3FFE];
	_ =	sdelay $0x1  }
0x8a: {  	s1 =	srdreg.scid  }
0x8b: {  	s0 =	sand.u32 $0x1, s1  }
0x8c: {  	s17 =	sshll.u32 s0, $0xA;
	s2 =	sadd.s32 s3, s2  }
0x8d: {  	s2 =	sadd.s32 s2, s17  }
0x8e: {  	[smem:$0x3FC4] =	sst s2  }
0x8f: {  	_ = 	snop  }
0x90: {  	s2 =	sld [smem:$0x3FD0];
	(tm) =	ssettm $0x1  }
0x91: {  	s18 =	sld [smem:$0x3FFB];
	_ =	sdelay $0x3  }
0x92: {  	_ =	strace s18  }
0x93: {  	s3 =	sld [smem:$0x3FFC];
	_ =	sdelay $0x3  }
0x94: {  	_ =	strace s3  }
0x95: {  	s3 =	sld [smem:$0x3FFD];
	_ =	sdelay $0x3  }
0x96: {  	_ =	strace s3  }
0x97: {  	_ =	strace $0x8FFFFFFF  }
0x98: {  	s19 =	sld [smem:$0x3FDB];
	_ =	sdelay $0x1  }
0x99: {  	s4 =	simm.s32 $_scs_section_size  }
0x9a: {  	s5 =	simm.s32 $_size__tile_overlayer_lowered;
	s6 =	simm.s32 $_tile_overlayer_lowered  }
0x9b: {  	s22 =	simm.s32 $0x1BFF;
	s21 =	sshll.u32 s6, $0x1;
	s3 =	sadd.s32 s4, s19  }
0x9c: {  	s7 =	simm.s32 $0x0;
	s20 =	sshll.u32 s5, $0x1;
	s5 =	sadd.s32 s21, s3  }
0x9d: {  	[timem:s7], [sflag:s22] =	dma.local [hbm:s5], s20  }
0x9e: {  	_ =	swait.ge [sflag:s22], s20  }
0x9f: {  	s4 =	ssub.s32 $0x0, s20;
	[sflag:s22] =	ssyncset.done $0x0  }
0xa0: {  	[sflag:s22] =	ssyncadd.s32 s4;
	_ =	sdelay $0x1  }
0xa1: {  	s23 =	simm.s32 $0x1B8B  }
0xa2: {  	_ =	swait.ge [sflag:s23], $0x1  }
0xa3: {  	[sflag:s23] =	ssyncset.done $0x0  }
0xa4: {  	s25 =	simm.s32 $0x1B8E;
	s24 =	sld [smem:$0x3FFE];
	[sflag:s23] =	ssyncadd.s32 $0xFFFFFFFF  }
0xa5: {  	s26 =	simm.s32 $execute0_lowered;
	[smem:$0x3FD2] =	sst s25  }
0xa6: {  	s5 =	sshll.u32 s26, $0x1;
	_ =	strace $0x80000046;
	[dreg:$0x1] =	wrdreg $0xFFFFFFFF  }
0xa7: {  	s28 =	simm.s32 $_size_execute0_lowered;
	s3 =	sadd.s32 s3, s5;
	[dreg:$0x0] =	wrdreg $0x0  }
0xa8: {  	s5 =	sshll.u32 s28, $0x1;
	[dreg:$0x2] =	wrdreg s3  }
0xa9: {  	[dreg:$0x3] =	wrdreg s5  }
0xaa: {  	[dreg:$0x4] =	wrdreg $0xC0  }
0xab: {  	_ =	task [dreg:s7], $0x5FFFF  }
0xac: {  	[dreg:$0x1] =	wrdreg $0xFFFFFFFF  }
0xad: {  	[dreg:$0x0] =	wrdreg $0x60  }
0xae: {  	[dreg:$0x2] =	wrdreg s24  }
0xaf: {  	[dreg:$0x3] =	wrdreg s2  }
0xb0: {  	[dreg:$0x4] =	wrdreg $0x90000  }
0xb1: {  	[dreg:$0x5] =	wrdreg $0x9  }
0xb2: {  	_ =	task.clear_ibuf [dreg:s7], $0x6FFFF;
	_ =	strace $0x90000046  }
0xb3: {  	s29 =	simm.s32 $0x9;
	_ =	strace $0x80000048  }
0xb4: {  	_ =	swait.ge [sflag:s29], $0x1  }
0xb5: {  	[sflag:s29] =	ssyncadd.s32 $0xFFFFFFFF  }
0xb6: {  	_ =	strace $0x90000048  }
0xb7: {  	_ =	sfence  }
0xb8: {  	s30 =	sld [smem:$0x0];
	_ =	sdelay $0x2  }
0xb9: {  	s31 =	sshll.u32 s1, $0xD;
	s1 =	sshrl.u32 s1, $0x2  }
0xba: {  	s3 =	sand.u32 $0x4000, s31;
	s1 =	sadd.s32 s1, s30  }
0xbb: {  	s0 =	sor.u32 s3, s0;
	s1 =	sshll.u32 s1, $0x11  }
0xbc: {  	s0 =	sor.u32 s1, s0  }
0xbd: {  	s0 =	sadd.s32 $0x8F2B, s0  }
0xbe: {  	[sflag:s0] =	ssyncadd.remote.s32 $0x1  }
0xbf: {  	_ =	sfence.sel $0xFFFF  }
0xc0: {  	[dreg:$0x0] =	wrdreg $0xFFFFFFFF;
	(pc) =	sbr.abs _section_cstart, $3  }
0xc1: {  	[dreg:$0x1] =	wrdreg $0xFFFFFFFF  }
0xc2: {  	_ =	task.clear_ibuf [dreg:s7], $0x2FFFF;
	_ =	strace $0x9FFFFFFF  }
0xc3: {  	(tm) =	ssettm $0x7FFFFFFF  }
tec
execute0_lowered:
.L_overlay_start_1:
0x0: {  	(tag) =	ssettag $0x1  }
0x1: {  	s6 =	rddreg [dreg:$0x0]  }
0x2: {  	s0 =	srdreg.scid;
	s2 =	rddreg [dreg:$0x1]  }
0x3: {  	s3 =	rddreg [dreg:$0x2];
	s1 =	stileid.u32  }
0x4: {  	s4 =	simm.s32 $0x0;
	s13 =	simm.s32 $0x80;
	s14 =	simm.s32 $0x5000  }
0x5: {  	s15 =	simm.s32 $0x1;
	s5 =	sand.u32 $0x1, s0;
	s0 =	rddreg [dreg:$0x3]  }
0x6: {  	[smem:$0x7FF] =	sst s4;
	s10 =	smul.u32 $0x4F000, s1;
	s31 =	sshll.u32 s1, $0x6  }
0x7: {  	s17 =	smul.u32 $0x2780, s1;
	s7 =	sshll.u32 s5, $0x4;
	_ =	strace $0x80000047  }
0x8: {  	s8 =	smul.u32 $0x27800, s5;
	s28 =	ssub.s32 $0x2, s5;
	s5 =	sadd.s32 $0x14C00, s6  }
0x9: {  	s7 =	sor.u32 s1, s7;
	s29 =	sshrl.u32 s28, $0x1;
	s30 =	sshrl.u32 s10, $0x2  }
0xa: {  	s7 =	smul.u32 $0x500, s7;
	s11 =	sadd.s32 s8, s6;
	s10 =	sadd.s32 s30, s3  }
0xb: {  	s12 =	ssub.s32 s28, s29;
	s16 =	sadd.s32 $0x17400, s11;
	s10 =	sshrl.u32 s10, $0x3  }
0xc: {  	s11 =	simm.s32 $0x2;
	s9 =	sadd.s32 s7, s6;
	s6 =	sor.u32 $0x1C02, s31  }
0xd: {  	s16 =	sadd.s32 s17, s16;
	s17 =	simm.s32 $0x0;
	s7 =	sadd.s32 $0xAC00, s9  }
0xe: {  	s8 =	sadd.s32 $0xC00, s9;
	s9 =	smax.u32 s12, $0x1;
	s12 =	simm.s32 $0x2800  }
.LBB2_1:
0xf: {  	[spmem:s10], [sflag:s6] =	dma.local [hbm:s5], $0x2780  }
0x10: {  	_ =	swait.ge [sflag:s11], $0x2780  }
0x11: {  	[sflag:s11] =	ssyncset.done $0x0  }
0x12: {  	[sflag:s11] =	ssyncadd.s32 $0xFFFFD880  }
0x13: {  	[tilespmem:s4], [sflag:$0x2] =	stream.linear.gather [hbm4b:s7+s4], $0x2780, $0x38;
	[tilespmem:$0x1CC00] =	vst v63  }
0x14: {  	_ =	swait.ge [sflag:s11], $0x2780  }
0x15: {  	[sflag:s11] =	ssyncset.done $0x0  }
0x16: {  	[sflag:s11] =	ssyncadd.s32 $0xFFFFD880  }
0x17: {  	[tilespmem:s12], [sflag:$0x2] =	stream.linear.gather [hbm4b:s8+s4], $0x2780, $0x38;
	[tilespmem:$0x1CC00] =	vst v63  }
0x18: {  	_ =	swait.ge [sflag:s11], $0x2780  }
0x19: {  	[sflag:s11] =	ssyncset.done $0x0  }
0x1a: {  	[sflag:s11] =	ssyncadd.s32 $0xFFFFD880  }
0x1b: {  	s18 =	simm.s32 $0x0;
	[bflag:$0x0] =	sbarrier.arrive $0xFFFF  }
0x1c: {  	[tilespmem:s14], [sflag:$0x1] =	stream.indirect.gather [hbm4b:s2+s13], $0x80, s18, s13, $0xb8;
	[tilespmem:$0x1CC00] =	vst v63  }
0x1d: {  	_ =	swait.ge [sflag:s15], $0x4000  }
0x1e: {  	[sflag:s15] =	ssyncset.done $0x0  }
0x1f: {  	s31 =	simm.s32 $0x2800;
	[sflag:s15] =	ssyncadd.s32 $0xFFFFC000  }
0x20: {  	[spmem:s3] =	stream.indirect.scatter.add.f32 [tilespmem:s14], [sflag:$0x2], $0x80, s31, s13, $0xb8;
	[tilespmem:$0x1CC00] =	vst v63  }
0x21: {  	_ =	swait.ge [sflag:s11], $0x4000  }
0x22: {  	s19 =	simm.s32 $0x400;
	s18 =	simm.s32 $0x200;
	[sflag:s11] =	ssyncset.done $0x0  }
.LBB2_2:
0x23: {  	s20 =	sshra.s32 s18, $0x2  }
0x24: {  	[sflag:s11] =	ssyncadd.s32 $0xFFFFC000;
	s18 =	smov.u32 s19;
	s21 =	sadd.s32 $0x200, s19  }
0x25: {  	[tilespmem:s14], [sflag:$0x1] =	stream.indirect.gather [hbm4b:s2+s13], $0x80, s20, s13, $0xb8;
	[tilespmem:$0x1CC00] =	vst v63  }
0x26: {  	p0 =	sne.s32 s19, $0x9C00;
	_ =	swait.ge [sflag:s15], $0x4000  }
.Ltmp0:
0x27: {  	[sflag:s15] =	ssyncset.done $0x0;
	(pc) =	sbr.rel @p0 .LBB2_2-.Ltmp0, $4  }
0x28: {  	s19 =	sadd.s32 $0x2800, s20;
	[sflag:s15] =	ssyncadd.s32 $0xFFFFC000  }
0x29: {  	[spmem:s3] =	stream.indirect.scatter.add.f32 [tilespmem:s14], [sflag:$0x2], $0x80, s19, s13, $0xb8;
	[tilespmem:$0x1CC00] =	vst v63  }
0x2a: {  	_ =	swait.ge [sflag:s11], $0x4000  }
0x2b: {  	s19 =	smov.u32 s21;
	[sflag:s11] =	ssyncset.done $0x0  }
0x2c: {  	s18 =	sshra.s32 s18, $0x2;
	[sflag:s11] =	ssyncadd.s32 $0xFFFFC000  }
0x2d: {  	[tilespmem:s14], [sflag:$0x1] =	stream.indirect.gather [hbm4b:s2+s13], $0x80, s18, s13, $0xb8;
	[tilespmem:$0x1CC00] =	vst v63  }
0x2e: {  	_ =	swait.ge [sflag:s15], $0x4000  }
0x2f: {  	[sflag:s15] =	ssyncset.done $0x0  }
0x30: {  	s18 =	sadd.s32 $0x2800, s18;
	[sflag:s15] =	ssyncadd.s32 $0xFFFFC000  }
0x31: {  	[spmem:s3] =	stream.indirect.scatter.add.f32 [tilespmem:s14], [sflag:$0x2], $0x80, s18, s13, $0xb8;
	[tilespmem:$0x1CC00] =	vst v63  }
0x32: {  	_ =	swait.ge [sflag:s11], $0x4000  }
0x33: {  	s17 =	sadd.s32 $0x1, s17;
	[sflag:s11] =	ssyncset.done $0x0  }
0x34: {  	p0 =	sne.s32 s17, s9;
	[sflag:s11] =	ssyncadd.s32 $0xFFFFC000  }
.Ltmp1:
0x35: {  	[bflag:$0x0] =	sbarrier.arrive $0xFFFF;
	(pc) =	sbr.rel @p0 .LBB2_1-.Ltmp1, $4  }
0x36: {  	[hbm:s16], [sflag:s6] =	dma.local [spmem:s10], $0x2780  }
0x37: {  	_ =	swait.ge [sflag:s11], $0x2780  }
0x38: {  	[sflag:s11] =	ssyncset.done $0x0  }
0x39: {  	[sflag:s11] =	ssyncadd.s32 $0xFFFFD880  }
0x3a: {  	_ =	sfence.sel $0x180000  }
0x3b: {  	[bflag:$0x0] =	sbarrier.arrive $0xFFFF  }
0x3c: {  	p0 =	sne.s32 s1, $0x0;
	_ =	strace $0x90000047  }
0x3d: {  	s0 =	sadd.s32 @!p0 $0x100000, s0;
	[bflag:$0x2] =	sbarrier.arrive $0xFFFF  }
0x3e: {  	[sflag:s0] =	ssyncadd.tile.s32 @!p0 $0x1;
	_ =	shalt  }
.Lfunc_end2:
_tile_overlayer_lowered:
.L_overlay_start_2:
0x3f: {  	(tag) =	ssettag $0x2  }
0x40: {  	s0 =	rddreg [dreg:$0x0];
	s2 =	stileid.u32  }
0x41: {  	s1 =	rddreg [dreg:$0x1];
	p0 =	sne.s32 s2, $0x0  }
0x42: {  	s3 =	rddreg [dreg:$0x2];
	[bflag:$0x3] =	sbarrier.arrive $0xFFFF;
	s2 =	simm.s32 @!p0 $0x1C02  }
0x43: {  	[timem:s3], [sflag:s2] =	dma.local @!p0 [hbm:s0], s1  }
0x44: {  	s0 =	simm.s32 @!p0 $0x2  }
0x45: {  	_ =	swait.ge @!p0 [sflag:s0], s1  }
0x46: {  	s1 =	ssub.s32 @!p0 $0x0, s1;
	[sflag:s0] =	ssyncset.done @!p0 $0x0  }
0x47: {  	[sflag:s0] =	ssyncadd.s32 @!p0 s1  }
0x48: {  	[bflag:$0x3] =	sbarrier.arrive $0xFFFF  }
0x49: {  	_ =	shalt  }

</sc_bundles>
